<compile_context>
chip_gen: v7x
topology: tpu7x:2x2x1
jax: 0.10.2.dev20260603
libtpu: 0.0.44.dev20260713+nightly
codegen_flags: <defaults>
</compile_context>

<pallas_src>
import jax
import jax.numpy as jnp
from jax import lax
from jax.experimental import pallas as pl
from jax.experimental.pallas import tpu as pltpu
from jax.experimental.pallas import tpu_sc as plsc

VOCAB = 100000
DIM = 768
B = 256
H = 14
W = 14
HW = H * W
N = B * HW

NC = 2
NS = 16
NW = NC * NS
PER_W = N // NW
CHUNK = 56
NCHUNK = PER_W // CHUNK


def _sc_gather_body(table_hbm, idx_hbm, out_hbm, idx_v, rows0, rows1, s0, s1):
    wid = lax.axis_index("s") * NC + lax.axis_index("c")
    base = wid * PER_W
    pltpu.sync_copy(idx_hbm.at[pl.ds(base, PER_W)], idx_v)

    def fire(c, buf, sem):
        pltpu.async_copy(
            table_hbm.at[idx_v.at[pl.ds(c * CHUNK, CHUNK)]], buf, sem
        )

    def drain_write(c, buf, sem):
        pltpu.make_async_copy(
            table_hbm.at[idx_v.at[pl.ds(c * CHUNK, CHUNK)]], buf, sem
        ).wait()
        pltpu.sync_copy(buf, out_hbm.at[pl.ds(base + c * CHUNK, CHUNK)])

    fire(0, rows0, s0)
    fire(1, rows1, s1)

    def body(j, carry):
        c = 2 * j
        drain_write(c, rows0, s0)
        fire(c + 2, rows0, s0)
        drain_write(c + 1, rows1, s1)
        fire(c + 3, rows1, s1)
        return carry

    lax.fori_loop(0, NCHUNK // 2 - 1, body, 0)
    drain_write(NCHUNK - 2, rows0, s0)
    drain_write(NCHUNK - 1, rows1, s1)


@jax.jit
def _sc_gather(token_emb, ids):
    mesh = plsc.VectorSubcoreMesh(core_axis_name="c", subcore_axis_name="s")
    return pl.kernel(
        _sc_gather_body,
        out_type=jax.ShapeDtypeStruct((N, DIM), jnp.float32),
        mesh=mesh,
        scratch_types=[
            pltpu.VMEM((PER_W,), jnp.int32),
            pltpu.VMEM((CHUNK, DIM), jnp.float32),
            pltpu.VMEM((CHUNK, DIM), jnp.float32),
            pltpu.SemaphoreType.DMA,
            pltpu.SemaphoreType.DMA,
        ],
    )(token_emb, ids)


def _emb_body(pos_ref, mod_ref, out_ref):
    out_ref[...] = jnp.broadcast_to(
        pos_ref[0][:, None, :] + mod_ref[...], out_ref.shape
    )


def _build_2d_sincos_posemb(h, w, embed_dim, temperature=10000.0):
    grid_w = jnp.arange(w, dtype=jnp.float32)
    grid_h = jnp.arange(h, dtype=jnp.float32)
    grid_w, grid_h = jnp.meshgrid(grid_w, grid_h, indexing='ij')
    pos_dim = embed_dim // 4
    omega = jnp.arange(pos_dim, dtype=jnp.float32) / pos_dim
    omega = 1.0 / (temperature ** omega)
    out_w = jnp.einsum('m,d->md', grid_w.flatten(), omega)
    out_h = jnp.einsum('m,d->md', grid_h.flatten(), omega)
    return jnp.concatenate(
        [jnp.sin(out_w), jnp.cos(out_w), jnp.sin(out_h), jnp.cos(out_h)],
        axis=1,
    )


_EMB_BP = 14


@jax.jit
def _tc_emb(pos, mod):
    return pl.pallas_call(
        _emb_body,
        grid=(HW // _EMB_BP,),
        in_specs=[
            pl.BlockSpec((1, _EMB_BP, DIM), lambda i: (i, 0, 0)),
            pl.BlockSpec((1, 1, DIM), lambda i: (0, 0, 0)),
        ],
        out_specs=pl.BlockSpec((_EMB_BP, B, DIM), lambda i: (i, 0, 0)),
        out_shape=jax.ShapeDtypeStruct((HW, B, DIM), jnp.float32),
    )(pos.reshape(HW // _EMB_BP, _EMB_BP, DIM), mod)


def kernel(tensor, token_emb, mod_emb):
    ids_t = tensor.reshape(B, HW).astype(jnp.int32).T.reshape(N)
    x_flat = _sc_gather(token_emb, ids_t)
    pos = _build_2d_sincos_posemb(H, W, DIM)
    emb_t = _tc_emb(pos, mod_emb)
    x = jnp.transpose(x_flat.reshape(HW, B, DIM), (1, 0, 2))
    emb = jnp.transpose(emb_t, (1, 0, 2))
    return (x, emb)

# --- scband reference (transcript-rebuilt; emitter-appended) ---
"""Pipeline reference for scband-image-token-encoder-embedding-2388001817006 (READ-ONLY COPY).

The authoritative reference and input builder live on the scoring server;
editing this copy changes nothing except your own understanding.
"""

import jax, jax.numpy as jnp
import numpy as np

VOCAB = 100000
DIM = 768
B = 256
H = 14
W = 14


def build_2d_sincos_posemb(h, w, embed_dim, temperature=10000.0):
    grid_w = jnp.arange(w, dtype=jnp.float32)
    grid_h = jnp.arange(h, dtype=jnp.float32)
    grid_w, grid_h = jnp.meshgrid(grid_w, grid_h, indexing='ij')
    pos_dim = embed_dim // 4
    omega = jnp.arange(pos_dim, dtype=jnp.float32) / pos_dim
    omega = 1.0 / (temperature ** omega)
    out_w = jnp.einsum('m,d->md', grid_w.flatten(), omega)
    out_h = jnp.einsum('m,d->md', grid_h.flatten(), omega)
    pos_emb = jnp.concatenate([jnp.sin(out_w), jnp.cos(out_w), jnp.sin(out_h), jnp.cos(out_h)], axis=1)[None, :, :]
    return pos_emb


def setup_inputs(seed: int = 0) -> dict:
    key = jax.random.key(seed)
    k1, k2, k3 = jax.random.split(key, 3)
    tensor = jax.random.randint(k1, (B, H, W), 0, VOCAB)
    token_emb = jax.random.normal(k2, (VOCAB, DIM), dtype=jnp.float32) * 0.02
    mod_emb = jax.random.normal(k3, (1, 1, DIM), dtype=jnp.float32) * 0.02
    return {"tensor": tensor, "token_emb": token_emb, "mod_emb": mod_emb}


def reference(tensor, token_emb, mod_emb):
    b = tensor.shape[0]
    ids = tensor.reshape(b, -1)
    # nn.Embedding lookup -> gather rows from the table
    x = jnp.take(token_emb, ids, axis=0)
    # fixed 2D sin-cos positional embedding buffer (non-learned)
    pos_emb = build_2d_sincos_posemb(H, W, DIM)
    emb = jnp.broadcast_to(pos_emb + mod_emb, (b, H * W, DIM))
    return (x, emb)

if __name__ == "__main__":
    import jax
    _d = setup_inputs()
    print(jax.jit(kernel)(*tuple(_d.values())))

</pallas_src>

<mosaic_0001>
#map = affine_map<(d0, d1) -> (0, 0)>
#map1 = affine_map<(d0, d1) -> (0)>
module attributes {stable_mosaic.version = 14 : i64} {
  func.func @_sc_gather_body(%arg0: i32, %arg1: i32, %arg2: memref<100000x768xf32, #tpu.memory_space<hbm>>, %arg3: memref<50176xi32, #tpu.memory_space<hbm>>, %arg4: memref<50176x768xf32, #tpu.memory_space<hbm>>, %arg5: memref<1568xi32, #tpu.memory_space<vmem>>, %arg6: memref<56x768xf32, #tpu.memory_space<vmem>>, %arg7: memref<56x768xf32, #tpu.memory_space<vmem>>, %arg8: memref<!tpu.dma_semaphore, #tpu.memory_space<semaphore_mem>>, %arg9: memref<!tpu.dma_semaphore, #tpu.memory_space<semaphore_mem>>) attributes {dimension_semantics = [#tpu.dimension_semantics<core_parallel>, #tpu.dimension_semantics<subcore_parallel>], iteration_bounds = array<i64: 2, 16>, scalar_prefetch = 0 : i64, scratch_operands = 5 : i64, tpu.core_type = #tpu.core_type<sc_vector_subcore>, window_params = [{transform_indices = #map}, {transform_indices = #map1}, {transform_indices = #map}]} {
    %mul3A = arith.constant 2 : i32
    %mul3A_0 = arith.muli %arg1, %mul3A : i32
    %add3A = arith.addi %mul3A_0, %arg0 : i32
    %mul3A_1 = arith.constant 1568 : i32
    %mul3A_2 = arith.muli %add3A, %mul3A_1 : i32
    "tpu.region"() ({
      %run_scoped3A = tpu.sem_alloc : memref<!tpu.dma_semaphore, #tpu.memory_space<semaphore_mem>>
      %dma_start3A_30 = tpu.memref_slice %arg3[%mul3A_2] : memref<50176xi32, #tpu.memory_space<hbm>> -> memref<1568xi32, #tpu.memory_space<hbm>>
      %dma_start3A_31 = tpu.memref_slice %arg3[%mul3A_2] : memref<50176xi32, #tpu.memory_space<hbm>> -> memref<1568xi32, #tpu.memory_space<hbm>>
      tpu.enqueue_dma source(%dma_start3A_31 : memref<1568xi32, #tpu.memory_space<hbm>>) target(%arg5 : memref<1568xi32, #tpu.memory_space<vmem>>) target_semaphore(%run_scoped3A : memref<!tpu.dma_semaphore, #tpu.memory_space<semaphore_mem>>)
      %dma_wait3A_32 = tpu.memref_slice %arg3[%mul3A_2] : memref<50176xi32, #tpu.memory_space<hbm>> -> memref<1568xi32, #tpu.memory_space<hbm>>
      %dma_wait3A_33 = tpu.memref_slice %arg3[%mul3A_2] : memref<50176xi32, #tpu.memory_space<hbm>> -> memref<1568xi32, #tpu.memory_space<hbm>>
      tpu.wait_dma2 semaphore(%run_scoped3A : memref<!tpu.dma_semaphore, #tpu.memory_space<semaphore_mem>>) src(%dma_wait3A_33 : memref<1568xi32, #tpu.memory_space<hbm>>) dst(%arg5 : memref<1568xi32, #tpu.memory_space<vmem>>)
      tpu.yield
    }) : () -> ()
    %dma_start3A = arith.constant 0 : i32
    %dma_start3A_3 = tpu.memref_slice %arg5[%dma_start3A] : memref<1568xi32, #tpu.memory_space<vmem>> -> memref<56xi32, #tpu.memory_space<vmem>>
    %dma_start3A_4 = arith.constant 0 : i32
    %dma_start3A_5 = arith.constant 0 : i32
    %dma_start3A_6 = tpu.memref_slice %arg2[%dma_start3A_4, %dma_start3A_5] : memref<100000x768xf32, #tpu.memory_space<hbm>> -> memref<100000x768xf32, #tpu.memory_space<hbm>>
    tpu.enqueue_indirect_dma source(%dma_start3A_6 : memref<100000x768xf32, #tpu.memory_space<hbm>>) target(%arg6 : memref<56x768xf32, #tpu.memory_space<vmem>>) offsets(%dma_start3A_3 : memref<56xi32, #tpu.memory_space<vmem>>) semaphore(%arg8 : memref<!tpu.dma_semaphore, #tpu.memory_space<semaphore_mem>>)
    %dma_start3A_7 = arith.constant 56 : i32
    %dma_start3A_8 = tpu.memref_slice %arg5[%dma_start3A_7] : memref<1568xi32, #tpu.memory_space<vmem>> -> memref<56xi32, #tpu.memory_space<vmem>>
    %dma_start3A_9 = arith.constant 0 : i32
    %dma_start3A_10 = arith.constant 0 : i32
    %dma_start3A_11 = tpu.memref_slice %arg2[%dma_start3A_9, %dma_start3A_10] : memref<100000x768xf32, #tpu.memory_space<hbm>> -> memref<100000x768xf32, #tpu.memory_space<hbm>>
    tpu.enqueue_indirect_dma source(%dma_start3A_11 : memref<100000x768xf32, #tpu.memory_space<hbm>>) target(%arg7 : memref<56x768xf32, #tpu.memory_space<vmem>>) offsets(%dma_start3A_8 : memref<56xi32, #tpu.memory_space<vmem>>) semaphore(%arg9 : memref<!tpu.dma_semaphore, #tpu.memory_space<semaphore_mem>>)
    %scan3A = arith.constant 0 : i32
    %scan3A_12 = arith.constant 0 : i32
    %scan3A_13 = arith.constant 13 : i32
    %scan3A_14 = arith.addi %scan3A_12, %scan3A_13 : i32
    %scan3A_15 = arith.constant 1 : i32
    scf.for %scan3A_30 = %scan3A_12 to %scan3A_14 step %scan3A_15  : i32 {
      %mul3A_31 = arith.constant 2 : i32
      %mul3A_32 = arith.muli %mul3A_31, %scan3A_30 : i32
      %mul3A_33 = arith.constant 56 : i32
      %mul3A_34 = arith.muli %mul3A_32, %mul3A_33 : i32
      %dma_wait3A_35 = tpu.memref_slice %arg5[%mul3A_34] : memref<1568xi32, #tpu.memory_space<vmem>> -> memref<56xi32, #tpu.memory_space<vmem>>
      %dma_wait3A_36 = arith.constant 0 : i32
      %dma_wait3A_37 = arith.constant 0 : i32
      %dma_wait3A_38 = tpu.memref_slice %arg2[%dma_wait3A_36, %dma_wait3A_37] : memref<100000x768xf32, #tpu.memory_space<hbm>> -> memref<100000x768xf32, #tpu.memory_space<hbm>>
      tpu.wait_indirect_dma semaphore(%arg8 : memref<!tpu.dma_semaphore, #tpu.memory_space<semaphore_mem>>) src(%dma_wait3A_38 : memref<100000x768xf32, #tpu.memory_space<hbm>>) dst(%arg6 : memref<56x768xf32, #tpu.memory_space<vmem>>)
      %mul3A_39 = arith.constant 56 : i32
      %mul3A_40 = arith.muli %mul3A_32, %mul3A_39 : i32
      %add3A_41 = arith.addi %mul3A_2, %mul3A_40 : i32
      "tpu.region"() ({
        %run_scoped3A = tpu.sem_alloc : memref<!tpu.dma_semaphore, #tpu.memory_space<semaphore_mem>>
        %dma_start3A_69 = arith.constant 0 : i32
        %dma_start3A_70 = tpu.memref_slice %arg4[%add3A_41, %dma_start3A_69] : memref<50176x768xf32, #tpu.memory_space<hbm>> -> memref<56x768xf32, #tpu.memory_space<hbm>>
        %dma_start3A_71 = arith.constant 0 : i32
        %dma_start3A_72 = tpu.memref_slice %arg4[%add3A_41, %dma_start3A_71] : memref<50176x768xf32, #tpu.memory_space<hbm>> -> memref<56x768xf32, #tpu.memory_space<hbm>>
        tpu.enqueue_dma source(%arg6 : memref<56x768xf32, #tpu.memory_space<vmem>>) target(%dma_start3A_72 : memref<56x768xf32, #tpu.memory_space<hbm>>) target_semaphore(%run_scoped3A : memref<!tpu.dma_semaphore, #tpu.memory_space<semaphore_mem>>)
        %dma_wait3A_73 = arith.constant 0 : i32
        %dma_wait3A_74 = tpu.memref_slice %arg4[%add3A_41, %dma_wait3A_73] : memref<50176x768xf32, #tpu.memory_space<hbm>> -> memref<56x768xf32, #tpu.memory_space<hbm>>
        %dma_wait3A_75 = arith.constant 0 : i32
        %dma_wait3A_76 = tpu.memref_slice %arg4[%add3A_41, %dma_wait3A_75] : memref<50176x768xf32, #tpu.memory_space<hbm>> -> memref<56x768xf32, #tpu.memory_space<hbm>>
        tpu.wait_dma2 semaphore(%run_scoped3A : memref<!tpu.dma_semaphore, #tpu.memory_space<semaphore_mem>>) src(%arg6 : memref<56x768xf32, #tpu.memory_space<vmem>>) dst(%dma_wait3A_76 : memref<56x768xf32, #tpu.memory_space<hbm>>)
        tpu.yield
      }) : () -> ()
      %add3A_42 = arith.constant 2 : i32
      %add3A_43 = arith.addi %mul3A_32, %add3A_42 : i32
      %mul3A_44 = arith.constant 56 : i32
      %mul3A_45 = arith.muli %add3A_43, %mul3A_44 : i32
      %dma_start3A_46 = tpu.memref_slice %arg5[%mul3A_45] : memref<1568xi32, #tpu.memory_space<vmem>> -> memref<56xi32, #tpu.memory_space<vmem>>
      %dma_start3A_47 = arith.constant 0 : i32
      %dma_start3A_48 = arith.constant 0 : i32
      %dma_start3A_49 = tpu.memref_slice %arg2[%dma_start3A_47, %dma_start3A_48] : memref<100000x768xf32, #tpu.memory_space<hbm>> -> memref<100000x768xf32, #tpu.memory_space<hbm>>
      tpu.enqueue_indirect_dma source(%dma_start3A_49 : memref<100000x768xf32, #tpu.memory_space<hbm>>) target(%arg6 : memref<56x768xf32, #tpu.memory_space<vmem>>) offsets(%dma_start3A_46 : memref<56xi32, #tpu.memory_space<vmem>>) semaphore(%arg8 : memref<!tpu.dma_semaphore, #tpu.memory_space<semaphore_mem>>)
      %add3A_50 = arith.constant 1 : i32
      %add3A_51 = arith.addi %mul3A_32, %add3A_50 : i32
      %mul3A_52 = arith.constant 56 : i32
      %mul3A_53 = arith.muli %add3A_51, %mul3A_52 : i32
      %dma_wait3A_54 = tpu.memref_slice %arg5[%mul3A_53] : memref<1568xi32, #tpu.memory_space<vmem>> -> memref<56xi32, #tpu.memory_space<vmem>>
      %dma_wait3A_55 = arith.constant 0 : i32
      %dma_wait3A_56 = arith.constant 0 : i32
      %dma_wait3A_57 = tpu.memref_slice %arg2[%dma_wait3A_55, %dma_wait3A_56] : memref<100000x768xf32, #tpu.memory_space<hbm>> -> memref<100000x768xf32, #tpu.memory_space<hbm>>
      tpu.wait_indirect_dma semaphore(%arg9 : memref<!tpu.dma_semaphore, #tpu.memory_space<semaphore_mem>>) src(%dma_wait3A_57 : memref<100000x768xf32, #tpu.memory_space<hbm>>) dst(%arg7 : memref<56x768xf32, #tpu.memory_space<vmem>>)
      %mul3A_58 = arith.constant 56 : i32
      %mul3A_59 = arith.muli %add3A_51, %mul3A_58 : i32
      %add3A_60 = arith.addi %mul3A_2, %mul3A_59 : i32
      "tpu.region"() ({
        %run_scoped3A = tpu.sem_alloc : memref<!tpu.dma_semaphore, #tpu.memory_space<semaphore_mem>>
        %dma_start3A_69 = arith.constant 0 : i32
        %dma_start3A_70 = tpu.memref_slice %arg4[%add3A_60, %dma_start3A_69] : memref<50176x768xf32, #tpu.memory_space<hbm>> -> memref<56x768xf32, #tpu.memory_space<hbm>>
        %dma_start3A_71 = arith.constant 0 : i32
        %dma_start3A_72 = tpu.memref_slice %arg4[%add3A_60, %dma_start3A_71] : memref<50176x768xf32, #tpu.memory_space<hbm>> -> memref<56x768xf32, #tpu.memory_space<hbm>>
        tpu.enqueue_dma source(%arg7 : memref<56x768xf32, #tpu.memory_space<vmem>>) target(%dma_start3A_72 : memref<56x768xf32, #tpu.memory_space<hbm>>) target_semaphore(%run_scoped3A : memref<!tpu.dma_semaphore, #tpu.memory_space<semaphore_mem>>)
        %dma_wait3A_73 = arith.constant 0 : i32
        %dma_wait3A_74 = tpu.memref_slice %arg4[%add3A_60, %dma_wait3A_73] : memref<50176x768xf32, #tpu.memory_space<hbm>> -> memref<56x768xf32, #tpu.memory_space<hbm>>
        %dma_wait3A_75 = arith.constant 0 : i32
        %dma_wait3A_76 = tpu.memref_slice %arg4[%add3A_60, %dma_wait3A_75] : memref<50176x768xf32, #tpu.memory_space<hbm>> -> memref<56x768xf32, #tpu.memory_space<hbm>>
        tpu.wait_dma2 semaphore(%run_scoped3A : memref<!tpu.dma_semaphore, #tpu.memory_space<semaphore_mem>>) src(%arg7 : memref<56x768xf32, #tpu.memory_space<vmem>>) dst(%dma_wait3A_76 : memref<56x768xf32, #tpu.memory_space<hbm>>)
        tpu.yield
      }) : () -> ()
      %add3A_61 = arith.constant 3 : i32
      %add3A_62 = arith.addi %mul3A_32, %add3A_61 : i32
      %mul3A_63 = arith.constant 56 : i32
      %mul3A_64 = arith.muli %add3A_62, %mul3A_63 : i32
      %dma_start3A_65 = tpu.memref_slice %arg5[%mul3A_64] : memref<1568xi32, #tpu.memory_space<vmem>> -> memref<56xi32, #tpu.memory_space<vmem>>
      %dma_start3A_66 = arith.constant 0 : i32
      %dma_start3A_67 = arith.constant 0 : i32
      %dma_start3A_68 = tpu.memref_slice %arg2[%dma_start3A_66, %dma_start3A_67] : memref<100000x768xf32, #tpu.memory_space<hbm>> -> memref<100000x768xf32, #tpu.memory_space<hbm>>
      tpu.enqueue_indirect_dma source(%dma_start3A_68 : memref<100000x768xf32, #tpu.memory_space<hbm>>) target(%arg7 : memref<56x768xf32, #tpu.memory_space<vmem>>) offsets(%dma_start3A_65 : memref<56xi32, #tpu.memory_space<vmem>>) semaphore(%arg9 : memref<!tpu.dma_semaphore, #tpu.memory_space<semaphore_mem>>)
    }
    %scan3A_16 = arith.constant 13 : i32
    %dma_wait3A = arith.constant 1456 : i32
    %dma_wait3A_17 = tpu.memref_slice %arg5[%dma_wait3A] : memref<1568xi32, #tpu.memory_space<vmem>> -> memref<56xi32, #tpu.memory_space<vmem>>
    %dma_wait3A_18 = arith.constant 0 : i32
    %dma_wait3A_19 = arith.constant 0 : i32
    %dma_wait3A_20 = tpu.memref_slice %arg2[%dma_wait3A_18, %dma_wait3A_19] : memref<100000x768xf32, #tpu.memory_space<hbm>> -> memref<100000x768xf32, #tpu.memory_space<hbm>>
    tpu.wait_indirect_dma semaphore(%arg8 : memref<!tpu.dma_semaphore, #tpu.memory_space<semaphore_mem>>) src(%dma_wait3A_20 : memref<100000x768xf32, #tpu.memory_space<hbm>>) dst(%arg6 : memref<56x768xf32, #tpu.memory_space<vmem>>)
    %add3A_21 = arith.constant 1456 : i32
    %add3A_22 = arith.addi %mul3A_2, %add3A_21 : i32
    "tpu.region"() ({
      %run_scoped3A = tpu.sem_alloc : memref<!tpu.dma_semaphore, #tpu.memory_space<semaphore_mem>>
      %dma_start3A_30 = arith.constant 0 : i32
      %dma_start3A_31 = tpu.memref_slice %arg4[%add3A_22, %dma_start3A_30] : memref<50176x768xf32, #tpu.memory_space<hbm>> -> memref<56x768xf32, #tpu.memory_space<hbm>>
      %dma_start3A_32 = arith.constant 0 : i32
      %dma_start3A_33 = tpu.memref_slice %arg4[%add3A_22, %dma_start3A_32] : memref<50176x768xf32, #tpu.memory_space<hbm>> -> memref<56x768xf32, #tpu.memory_space<hbm>>
      tpu.enqueue_dma source(%arg6 : memref<56x768xf32, #tpu.memory_space<vmem>>) target(%dma_start3A_33 : memref<56x768xf32, #tpu.memory_space<hbm>>) target_semaphore(%run_scoped3A : memref<!tpu.dma_semaphore, #tpu.memory_space<semaphore_mem>>)
      %dma_wait3A_34 = arith.constant 0 : i32
      %dma_wait3A_35 = tpu.memref_slice %arg4[%add3A_22, %dma_wait3A_34] : memref<50176x768xf32, #tpu.memory_space<hbm>> -> memref<56x768xf32, #tpu.memory_space<hbm>>
      %dma_wait3A_36 = arith.constant 0 : i32
      %dma_wait3A_37 = tpu.memref_slice %arg4[%add3A_22, %dma_wait3A_36] : memref<50176x768xf32, #tpu.memory_space<hbm>> -> memref<56x768xf32, #tpu.memory_space<hbm>>
      tpu.wait_dma2 semaphore(%run_scoped3A : memref<!tpu.dma_semaphore, #tpu.memory_space<semaphore_mem>>) src(%arg6 : memref<56x768xf32, #tpu.memory_space<vmem>>) dst(%dma_wait3A_37 : memref<56x768xf32, #tpu.memory_space<hbm>>)
      tpu.yield
    }) : () -> ()
    %dma_wait3A_23 = arith.constant 1512 : i32
    %dma_wait3A_24 = tpu.memref_slice %arg5[%dma_wait3A_23] : memref<1568xi32, #tpu.memory_space<vmem>> -> memref<56xi32, #tpu.memory_space<vmem>>
    %dma_wait3A_25 = arith.constant 0 : i32
    %dma_wait3A_26 = arith.constant 0 : i32
    %dma_wait3A_27 = tpu.memref_slice %arg2[%dma_wait3A_25, %dma_wait3A_26] : memref<100000x768xf32, #tpu.memory_space<hbm>> -> memref<100000x768xf32, #tpu.memory_space<hbm>>
    tpu.wait_indirect_dma semaphore(%arg9 : memref<!tpu.dma_semaphore, #tpu.memory_space<semaphore_mem>>) src(%dma_wait3A_27 : memref<100000x768xf32, #tpu.memory_space<hbm>>) dst(%arg7 : memref<56x768xf32, #tpu.memory_space<vmem>>)
    %add3A_28 = arith.constant 1512 : i32
    %add3A_29 = arith.addi %mul3A_2, %add3A_28 : i32
    "tpu.region"() ({
      %run_scoped3A = tpu.sem_alloc : memref<!tpu.dma_semaphore, #tpu.memory_space<semaphore_mem>>
      %dma_start3A_30 = arith.constant 0 : i32
      %dma_start3A_31 = tpu.memref_slice %arg4[%add3A_29, %dma_start3A_30] : memref<50176x768xf32, #tpu.memory_space<hbm>> -> memref<56x768xf32, #tpu.memory_space<hbm>>
      %dma_start3A_32 = arith.constant 0 : i32
      %dma_start3A_33 = tpu.memref_slice %arg4[%add3A_29, %dma_start3A_32] : memref<50176x768xf32, #tpu.memory_space<hbm>> -> memref<56x768xf32, #tpu.memory_space<hbm>>
      tpu.enqueue_dma source(%arg7 : memref<56x768xf32, #tpu.memory_space<vmem>>) target(%dma_start3A_33 : memref<56x768xf32, #tpu.memory_space<hbm>>) target_semaphore(%run_scoped3A : memref<!tpu.dma_semaphore, #tpu.memory_space<semaphore_mem>>)
      %dma_wait3A_34 = arith.constant 0 : i32
      %dma_wait3A_35 = tpu.memref_slice %arg4[%add3A_29, %dma_wait3A_34] : memref<50176x768xf32, #tpu.memory_space<hbm>> -> memref<56x768xf32, #tpu.memory_space<hbm>>
      %dma_wait3A_36 = arith.constant 0 : i32
      %dma_wait3A_37 = tpu.memref_slice %arg4[%add3A_29, %dma_wait3A_36] : memref<50176x768xf32, #tpu.memory_space<hbm>> -> memref<56x768xf32, #tpu.memory_space<hbm>>
      tpu.wait_dma2 semaphore(%run_scoped3A : memref<!tpu.dma_semaphore, #tpu.memory_space<semaphore_mem>>) src(%arg7 : memref<56x768xf32, #tpu.memory_space<vmem>>) dst(%dma_wait3A_37 : memref<56x768xf32, #tpu.memory_space<hbm>>)
      tpu.yield
    }) : () -> ()
    return
  }
}

</mosaic_0001>

<sc_bundles>
// kernel: _sc_gather.3.cloned.1.call-start
scs
__scs_entry_jumppad:
0x0: {  	(pc) =	sbr.rel $0x88, $3  }
0x1: {  	(tag) =	ssettag $0x0;
	lr =	simm.s32 $0x1  }
0x2: {  	[smem:$0x3F9F] =	sst lr;
	_ =	strace $0xD0000000  }
0x3: {  	_ = 	snop  }
0x4: {  	_ = 	snop  }
0x5: {  	_ = 	snop  }
0x6: {  	_ = 	snop  }
0x7: {  	_ = 	snop  }
__scs_overlays_trampoline_lowered:
0x8: {  	[smem:$0x3FAE] =	sst s0  }
0x9: {  	[smem:$0x3FAF] =	sst s1  }
0xa: {  	[smem:$0x3FB0] =	sst s2  }
0xb: {  	[smem:$0x3FB1] =	sst s3  }
0xc: {  	[smem:$0x3FB2] =	sst s4  }
0xd: {  	[smem:$0x3FB3] =	sst s5  }
0xe: {  	[smem:$0x3FB4] =	sst s6  }
0xf: {  	[smem:$0x3FB5] =	sst s7  }
0x10: {  	[smem:$0x3FB6] =	sst s8  }
0x11: {  	[smem:$0x3FB7] =	sst s9;
	s0 =	simm.s32 @!p0 $0x0  }
0x12: {  	s1 =	sld [smem:$0x3F9D];
	s0 =	simm.s32 @p0 $0x1  }
0x13: {  	[smem:$0x3FB8] =	sst s0;
	s0 =	simm.s32 @!p1 $0x0  }
0x14: {  	s2 =	sld [smem:$0x3F9C];
	s0 =	simm.s32 @p1 $0x1  }
0x15: {  	[smem:$0x3FB9] =	sst s0;
	s0 =	simm.s32 @!p2 $0x0  }
0x16: {  	s3 =	sld [smem:$0x3FDB];
	s0 =	simm.s32 @p2 $0x1  }
0x17: {  	s4 =	simm.s32 $0x1BF5;
	[smem:$0x3FBB] =	sst s0  }
0x18: {  	s0 =	sld [smem:$0x3F9E];
	_ =	swait.ge [sflag:s4], $0x0  }
0x19: {  	s7 =	sld [smem:$0x3F9F]  }
0x1a: {  	s8 =	sadd.s32 $0xFFFFE003, lr  }
0x1b: {  	s9 =	sadd.s32 $0xFFFFFEF7, lr;
	s5 =	simm.s32 $0xFFFFFFFF;
	p2 =	slt.u32 s8, $0xFFFFF086  }
0x1c: {  	p1 =	slt.u32 s9, $0xF7A;
	s5 =	simm.s32 @!p2 $0x0  }
0x1d: {  	s5 =	simm.s32 @p1 $0x1;
	p0 =	seq.s32 s7, s2  }
0x1e: {  	s7 =	smul.u32 @!p0 $0xF7A, s2;
	p2 =	seq.s32 @!p0 s5, $0x0  }
0x1f: {  	s9 =	smul.u32 $0xF7A, s1;
	s8 =	simm.s32 @!p0 $0x1BF5;
	p2 =	por !p2, p0  }
0x20: {  	[sflag:s8] =	ssyncset.s32 @!p0 $0xFFFFF086;
	s6 =	sadd.s32 @!p0 s3, s7;
	s7 =	simm.s32 @!p0 $0x108  }
0x21: {  	s3 =	sadd.s32 s3, s9;
	s6 =	sadd.s32 @!p0 $0x88, s6;
	s7 =	simm.s32 @p2 $0x1082  }
0x22: {  	[simem:s7], [sflag:s8] =	dma.local @!p0 [hbm:s6], $0xF7A  }
0x23: {  	s9 =	sor.u32 $0xD0000000, s2;
	s6 =	simm.s32 $0x108;
	_ =	swait.ge @!p0 [sflag:s8], $0x0  }
0x24: {  	s3 =	sadd.s32 $0x88, s3;
	s6 =	simm.s32 @!p1 $0x1082;
	[sflag:s4] =	ssyncset.s32 $0xFFFFF086  }
0x25: {  	[simem:s6], [sflag:s4] =	dma.local [hbm:s3], $0xF7A  }
0x26: {  	[smem:$0x3F9F] =	sst s1;
	(tag) =	ssettag s2;
	_ =	strace s9  }
0x27: {  	s1 =	sld [smem:$0x3FAF]  }
0x28: {  	s2 =	sld [smem:$0x3FB0]  }
0x29: {  	s4 =	sld [smem:$0x3FB2]  }
0x2a: {  	p0 =	seq.s32 s5, $0x0;
	s5 =	sld [smem:$0x3FB3]  }
0x2b: {  	s6 =	sld [smem:$0x3FB4]  }
0x2c: {  	s7 =	sld [smem:$0x3FB5]  }
0x2d: {  	s3 =	simm.s32 $0x108;
	s8 =	sld [smem:$0x3FB6]  }
0x2e: {  	s3 =	simm.s32 @!p0 $0x1082;
	s9 =	sld [smem:$0x3FB7]  }
0x2f: {  	lr =	sadd.s32 s0, s3;
	s0 =	sld [smem:$0x3FAE]  }
0x30: {  	s3 =	sld [smem:$0x3FB1]  }
0x31: {  	[smem:$0x3FBA] =	sst s10  }
0x32: {  	s10 =	sld [smem:$0x3FB8];
	_ =	sdelay $0x3  }
0x33: {  	p0 =	seq.s32 s10, $0x1;
	s10 =	sld [smem:$0x3FBA];
	_ =	sdelay $0x3  }
0x34: {  	[smem:$0x3FBA] =	sst s10  }
0x35: {  	s10 =	sld [smem:$0x3FB9];
	_ =	sdelay $0x3  }
0x36: {  	p1 =	seq.s32 s10, $0x1;
	s10 =	sld [smem:$0x3FBA];
	_ =	sdelay $0x3  }
0x37: {  	[smem:$0x3FBA] =	sst s10  }
0x38: {  	s10 =	sld [smem:$0x3FBB]  }
0x39: {  	_ = 	snop;
	(pc) =	sbr.ind lr, $3  }
0x3a: {  	_ = 	snop  }
0x3b: {  	_ = 	snop  }
0x3c: {  	p2 =	seq.s32 s10, $0x1;
	s10 =	sld [smem:$0x3FBA]  }
0x3d: {  	_ =	shalt  }
0x3e: {  	_ =	shalt  }
0x3f: {  	_ =	shalt  }
0x40: {  	_ =	shalt  }
0x41: {  	_ =	shalt  }
0x42: {  	_ =	shalt  }
0x43: {  	_ =	shalt  }
0x44: {  	_ =	shalt  }
0x45: {  	_ =	shalt  }
0x46: {  	_ =	shalt  }
0x47: {  	_ =	shalt  }
0x48: {  	_ =	shalt  }
0x49: {  	_ =	shalt  }
0x4a: {  	_ =	shalt  }
0x4b: {  	_ =	shalt  }
0x4c: {  	_ =	shalt  }
0x4d: {  	_ =	shalt  }
0x4e: {  	_ =	shalt  }
0x4f: {  	_ =	shalt  }
0x50: {  	_ =	shalt  }
0x51: {  	_ =	shalt  }
0x52: {  	_ =	shalt  }
0x53: {  	_ =	shalt  }
0x54: {  	_ =	shalt  }
0x55: {  	_ =	shalt  }
0x56: {  	_ =	shalt  }
0x57: {  	_ =	shalt  }
0x58: {  	_ =	shalt  }
0x59: {  	_ =	shalt  }
0x5a: {  	_ =	shalt  }
0x5b: {  	_ =	shalt  }
0x5c: {  	_ =	shalt  }
0x5d: {  	_ =	shalt  }
0x5e: {  	_ =	shalt  }
0x5f: {  	_ =	shalt  }
0x60: {  	_ =	shalt  }
0x61: {  	_ =	shalt  }
0x62: {  	_ =	shalt  }
0x63: {  	_ =	shalt  }
0x64: {  	_ =	shalt  }
0x65: {  	_ =	shalt  }
0x66: {  	_ =	shalt  }
0x67: {  	_ =	shalt  }
0x68: {  	_ =	shalt  }
0x69: {  	_ =	shalt  }
0x6a: {  	_ =	shalt  }
0x6b: {  	_ =	shalt  }
0x6c: {  	_ =	shalt  }
0x6d: {  	_ =	shalt  }
0x6e: {  	_ =	shalt  }
0x6f: {  	_ =	shalt  }
0x70: {  	_ =	shalt  }
0x71: {  	_ =	shalt  }
0x72: {  	_ =	shalt  }
0x73: {  	_ =	shalt  }
0x74: {  	_ =	shalt  }
0x75: {  	_ =	shalt  }
0x76: {  	_ =	shalt  }
0x77: {  	_ =	shalt  }
0x78: {  	_ =	shalt  }
0x79: {  	_ =	shalt  }
0x7a: {  	_ =	shalt  }
0x7b: {  	_ =	shalt  }
0x7c: {  	_ =	shalt  }
0x7d: {  	_ =	shalt  }
0x7e: {  	_ =	shalt  }
0x7f: {  	_ =	shalt  }
0x80: {  	_ =	shalt  }
0x81: {  	_ =	shalt  }
0x82: {  	_ =	shalt  }
0x83: {  	_ =	shalt  }
0x84: {  	_ =	shalt  }
0x85: {  	_ =	shalt  }
0x86: {  	_ =	shalt  }
0x87: {  	_ =	shalt  }
.Lfunc_end0:
.L_simem_size_0:
called_computation_lowered:
.L_overlay_start_0:
0x88: {  	s2 =	sld [smem:$0x3FD9]  }
0x89: {  	s3 =	sld [smem:$0x3FFE];
	_ =	sdelay $0x1  }
0x8a: {  	s1 =	srdreg.scid  }
0x8b: {  	s0 =	sand.u32 $0x1, s1  }
0x8c: {  	s18 =	sshll.u32 s0, $0xA;
	s2 =	sadd.s32 s3, s2  }
0x8d: {  	s2 =	sadd.s32 s2, s18  }
0x8e: {  	[smem:$0x3FC6] =	sst s2  }
0x8f: {  	_ = 	snop  }
0x90: {  	s2 =	sld [smem:$0x3FC9]  }
0x91: {  	s19 =	sld [smem:$0x3FC8]  }
0x92: {  	s4 =	sld [smem:$0x3FD0];
	(tm) =	ssettm $0x1  }
0x93: {  	s5 =	sld [smem:$0x3FFB];
	_ =	sdelay $0x3  }
0x94: {  	_ =	strace s5  }
0x95: {  	s5 =	sld [smem:$0x3FFC];
	_ =	sdelay $0x3  }
0x96: {  	_ =	strace s5  }
0x97: {  	s5 =	sld [smem:$0x3FFD];
	_ =	sdelay $0x3  }
0x98: {  	_ =	strace s5  }
0x99: {  	_ =	strace $0x8FFFFFFF  }
0x9a: {  	s20 =	sld [smem:$0x3FDB];
	_ =	sdelay $0x1  }
0x9b: {  	s6 =	simm.s32 $_scs_section_size  }
0x9c: {  	s7 =	simm.s32 $_size__tile_overlayer_lowered;
	s8 =	simm.s32 $_tile_overlayer_lowered  }
0x9d: {  	s23 =	simm.s32 $0x1BFF;
	s22 =	sshll.u32 s8, $0x1;
	s5 =	sadd.s32 s6, s20  }
0x9e: {  	s9 =	simm.s32 $0x0;
	s21 =	sshll.u32 s7, $0x1;
	s7 =	sadd.s32 s22, s5  }
0x9f: {  	[timem:s9], [sflag:s23] =	dma.local [hbm:s7], s21  }
0xa0: {  	_ =	swait.ge [sflag:s23], s21  }
0xa1: {  	s6 =	ssub.s32 $0x0, s21;
	[sflag:s23] =	ssyncset.done $0x0  }
0xa2: {  	[sflag:s23] =	ssyncadd.s32 s6;
	_ =	sdelay $0x1  }
0xa3: {  	s24 =	simm.s32 $0x1B8B  }
0xa4: {  	_ =	swait.ge [sflag:s24], $0x1  }
0xa5: {  	[sflag:s24] =	ssyncset.done $0x0  }
0xa6: {  	s25 =	simm.s32 $0x1B8E;
	[sflag:s24] =	ssyncadd.s32 $0xFFFFFFFF  }
0xa7: {  	s26 =	simm.s32 $execute0_lowered;
	[smem:$0x3FD2] =	sst s25  }
0xa8: {  	s6 =	sshll.u32 s26, $0x1;
	_ =	strace $0x80000046;
	[dreg:$0x1] =	wrdreg $0xFFFFFFFF  }
0xa9: {  	s28 =	simm.s32 $_size_execute0_lowered;
	s5 =	sadd.s32 s5, s6;
	[dreg:$0x0] =	wrdreg $0x0  }
0xaa: {  	s6 =	sshll.u32 s28, $0x1;
	[dreg:$0x2] =	wrdreg s5  }
0xab: {  	[dreg:$0x3] =	wrdreg s6  }
0xac: {  	[dreg:$0x4] =	wrdreg $0xC0  }
0xad: {  	_ =	task [dreg:s9], $0x5FFFF  }
0xae: {  	[dreg:$0x1] =	wrdreg $0xFFFFFFFF  }
0xaf: {  	[dreg:$0x0] =	wrdreg $0x60  }
0xb0: {  	[dreg:$0x2] =	wrdreg s2  }
0xb1: {  	[dreg:$0x3] =	wrdreg s19  }
0xb2: {  	[dreg:$0x4] =	wrdreg s4  }
0xb3: {  	[dreg:$0x5] =	wrdreg $0x9  }
0xb4: {  	_ =	task.clear_ibuf [dreg:s9], $0x6FFFF;
	_ =	strace $0x90000046  }
0xb5: {  	s29 =	simm.s32 $0x9;
	_ =	strace $0x80000048  }
0xb6: {  	_ =	swait.ge [sflag:s29], $0x1  }
0xb7: {  	[sflag:s29] =	ssyncadd.s32 $0xFFFFFFFF  }
0xb8: {  	_ =	strace $0x90000048  }
0xb9: {  	_ =	sfence  }
0xba: {  	s30 =	sld [smem:$0x0];
	_ =	sdelay $0x2  }
0xbb: {  	s31 =	sshll.u32 s1, $0xD;
	s1 =	sshrl.u32 s1, $0x2  }
0xbc: {  	s3 =	sand.u32 $0x4000, s31;
	s1 =	sadd.s32 s1, s30  }
0xbd: {  	s0 =	sor.u32 s3, s0;
	s1 =	sshll.u32 s1, $0x11  }
0xbe: {  	s0 =	sor.u32 s1, s0  }
0xbf: {  	s0 =	sadd.s32 $0x8F2B, s0  }
0xc0: {  	[sflag:s0] =	ssyncadd.remote.s32 $0x1  }
0xc1: {  	_ =	sfence.sel $0xFFFF  }
0xc2: {  	[dreg:$0x0] =	wrdreg $0xFFFFFFFF;
	(pc) =	sbr.abs _section_cstart, $3  }
0xc3: {  	[dreg:$0x1] =	wrdreg $0xFFFFFFFF  }
0xc4: {  	_ =	task.clear_ibuf [dreg:s9], $0x2FFFF;
	_ =	strace $0x9FFFFFFF  }
0xc5: {  	(tm) =	ssettm $0x7FFFFFFF  }
tec
execute0_lowered:
.L_overlay_start_1:
0x0: {  	(tag) =	ssettag $0x1  }
0x1: {  	s1 =	rddreg [dreg:$0x0]  }
0x2: {  	s0 =	srdreg.scid;
	s2 =	rddreg [dreg:$0x1]  }
0x3: {  	s7 =	stileid.u32;
	s4 =	rddreg [dreg:$0x2]  }
0x4: {  	s10 =	simm.s32 $0x3;
	s28 =	simm.s32 $0xE80;
	s12 =	simm.s32 $0x2E80  }
0x5: {  	s13 =	simm.s32 $0x3680;
	s14 =	simm.s32 $0x3E80;
	s15 =	simm.s32 $0x4680  }
0x6: {  	s16 =	simm.s32 $0x4E80;
	s17 =	simm.s32 $0x5680;
	s18 =	simm.s32 $0x5E80  }
0x7: {  	s19 =	simm.s32 $0x6680;
	s20 =	simm.s32 $0x6E80;
	s21 =	simm.s32 $0x7680  }
0x8: {  	s11 =	simm.s32 $0xA680;
	s31 =	simm.s32 $0xB680;
	s29 =	simm.s32 $0x1  }
0x9: {  	s30 =	simm.s32 $0x2;
	s0 =	sand.u32 $0x1, s0;
	s3 =	sshll.u32 s7, $0x1  }
0xa: {  	s7 =	smul.u32 $0xC40, s7;
	s5 =	sor.u32 s0, s3;
	s3 =	simm.s32 $0x0  }
0xb: {  	s6 =	ssub.s32 $0x2, s0;
	s0 =	smul.u32 $0x620, s0;
	[smem:$0x7FF] =	sst s3  }
0xc: {  	s5 =	smul.u32 $0x620, s5;
	s8 =	sshrl.u32 s6, $0x1;
	_ =	strace $0x80000047  }
0xd: {  	s8 =	ssub.s32 s6, s8;
	s0 =	sadd.s32 s0, s7;
	s6 =	sadd.s32 $0x200, s1  }
0xe: {  	s22 =	sshrl.u32 s5, $0x3;
	s5 =	sadd.s32 $0x5E8, s5;
	s24 =	sshrl.u32 s0, $0x3  }
0xf: {  	s0 =	sadd.s32 $0x38, s0;
	s26 =	smax.u32 s8, $0x1;
	s8 =	simm.s32 $0x1E80  }
0x10: {  	s9 =	smul.u32 $0x300, s22;
	s5 =	sshrl.u32 s5, $0x3;
	s2 =	sadd.s32 s2, s22  }
0x11: {  	s25 =	smul.u32 $0x300, s24;
	s0 =	sshrl.u32 s0, $0x3;
	[dreg:$0x9] =	wrdreg s26  }
0x12: {  	s22 =	simm.s32 $0x7E80;
	s24 =	simm.s32 $0x8E80;
	s26 =	simm.s32 $0x9E80  }
0x13: {  	s23 =	smul.u32 $0x300, s5;
	[dreg:$0x6] =	wrdreg s2;
	s5 =	sadd.s32 $0x100, s1  }
0x14: {  	s0 =	smul.u32 $0x300, s0;
	s9 =	sadd.s32 s4, s9;
	s2 =	sadd.s32 s25, s4  }
0x15: {  	s25 =	simm.s32 $0x9680;
	s9 =	sadd.s32 $0x22200, s9;
	[dreg:$0x4] =	wrdreg s2  }
0x16: {  	s7 =	sadd.s32 s4, s23;
	s0 =	sadd.s32 s0, s4;
	[dreg:$0x7] =	wrdreg s9  }
0x17: {  	v2 =	vlaneseq.u32;
	s23 =	simm.s32 $0x8680;
	s4 =	simm.s32 $0xAE80;
	[dreg:$0x8] =	wrdreg s7  }
0x18: {  	vm0 =	vmmov $0xffff;
	v1 =	vshrl.u32 v2, $0x3;
	s2 =	simm.s32 $0x0;
	[dreg:$0x5] =	wrdreg s0;
	s0 =	simm.s32 $0x680  }
0x19: {  	v0 =	vand.u32 $0x7, v2;
	v2 =	vor.u32 $0x8, v2;
	v1 =	vmul.u32 $0x8, v1;
	s7 =	simm.s32 $0x1680;
	s9 =	simm.s32 $0x2680;
	[dreg:$0xa] =	wrdreg s2  }
.LBB2_1:
0x1a: {  	s2 =	rddreg [dreg:$0x6]  }
0x1b: {  	[tilespmem:s3], [sflag:$0x3] =	stream.linear.gather [hbm4b:s2+s3], $0x620, $0x38;
	[tilespmem:$0x15680] =	vst v63  }
0x1c: {  	_ =	swait.ge [sflag:s10], $0x620  }
0x1d: {  	[sflag:s10] =	ssyncset.done $0x0  }
0x1e: {  	[sflag:s10] =	ssyncadd.s32 $0xFFFFF9E0  }
0x1f: {  	v3 =	vld [tilespmem:$0x0];
	_ =	sdelay $0x4  }
0x20: {  	v4 =	vshrl.u32 v3, $0x3  }
0x21: {  	v4 =	vmul.u32 $0x30, v4  }
0x22: {  	v3 =	vand.u32 $0x7, v3  }
0x23: {  	v3 =	vor.u32 v3, v4  }
0x24: {  	v4 =	vperm.xlane v3, v0;
	_ =	sdelay $0x1  }
0x25: {  	v4 =	vadd.s32 v1, v4;
	_ =	sdelay $0x3  }
0x26: {  	v3 =	vperm.xlane v3, v2  }
0x27: {  	[tilespmem:s0], [sflag:$0x1] =	stream.indirect_vreg.gather [hbm4b:s1+s3], $0x80, v4, vm0, $0xb8;
	[tilespmem:$0x15680] =	vst v63  }
0x28: {  	v3 =	vadd.s32 v1, v3  }
0x29: {  	[tilespmem:s28], [sflag:$0x1] =	stream.indirect_vreg.gather [hbm4b:s5+s3], $0x80, v4, vm0, $0xb8;
	[tilespmem:$0x15680] =	vst v63  }
0x2a: {  	_ = 	snop  }
0x2b: {  	[tilespmem:s7], [sflag:$0x1] =	stream.indirect_vreg.gather [hbm4b:s6+s3], $0x80, v4, vm0, $0xb8;
	[tilespmem:$0x15680] =	vst v63  }
0x2c: {  	_ = 	snop  }
0x2d: {  	[tilespmem:s8], [sflag:$0x1] =	stream.indirect_vreg.gather [hbm4b:s1+s3], $0x80, v3, vm0, $0xb8;
	[tilespmem:$0x15680] =	vst v63  }
0x2e: {  	_ = 	snop  }
0x2f: {  	[tilespmem:s9], [sflag:$0x1] =	stream.indirect_vreg.gather [hbm4b:s5+s3], $0x80, v3, vm0, $0xb8;
	[tilespmem:$0x15680] =	vst v63  }
0x30: {  	_ = 	snop  }
0x31: {  	[tilespmem:s12], [sflag:$0x1] =	stream.indirect_vreg.gather [hbm4b:s6+s3], $0x80, v3, vm0, $0xb8;
	[tilespmem:$0x15680] =	vst v63  }
0x32: {  	v3 =	vld [tilespmem:$0x10];
	_ =	sdelay $0x4  }
0x33: {  	v57 =	vshrl.u32 v3, $0x3  }
0x34: {  	v4 =	vmul.u32 $0x30, v57  }
0x35: {  	v3 =	vand.u32 $0x7, v3  }
0x36: {  	v3 =	vor.u32 v3, v4  }
0x37: {  	v4 =	vperm.xlane v3, v0;
	_ =	sdelay $0x1  }
0x38: {  	v4 =	vadd.s32 v1, v4;
	_ =	sdelay $0x3  }
0x39: {  	v3 =	vperm.xlane v3, v2  }
0x3a: {  	[tilespmem:s13], [sflag:$0x1] =	stream.indirect_vreg.gather [hbm4b:s1+s3], $0x80, v4, vm0, $0xb8;
	[tilespmem:$0x15680] =	vst v63  }
0x3b: {  	v3 =	vadd.s32 v1, v3  }
0x3c: {  	[tilespmem:s14], [sflag:$0x1] =	stream.indirect_vreg.gather [hbm4b:s5+s3], $0x80, v4, vm0, $0xb8;
	[tilespmem:$0x15680] =	vst v63  }
0x3d: {  	_ = 	snop  }
0x3e: {  	[tilespmem:s15], [sflag:$0x1] =	stream.indirect_vreg.gather [hbm4b:s6+s3], $0x80, v4, vm0, $0xb8;
	[tilespmem:$0x15680] =	vst v63  }
0x3f: {  	_ = 	snop  }
0x40: {  	[tilespmem:s16], [sflag:$0x1] =	stream.indirect_vreg.gather [hbm4b:s1+s3], $0x80, v3, vm0, $0xb8;
	[tilespmem:$0x15680] =	vst v63  }
0x41: {  	_ = 	snop  }
0x42: {  	[tilespmem:s17], [sflag:$0x1] =	stream.indirect_vreg.gather [hbm4b:s5+s3], $0x80, v3, vm0, $0xb8;
	[tilespmem:$0x15680] =	vst v63  }
0x43: {  	_ = 	snop  }
0x44: {  	[tilespmem:s18], [sflag:$0x1] =	stream.indirect_vreg.gather [hbm4b:s6+s3], $0x80, v3, vm0, $0xb8;
	[tilespmem:$0x15680] =	vst v63  }
0x45: {  	v3 =	vld [tilespmem:$0x20];
	_ =	sdelay $0x4  }
0x46: {  	v58 =	vshrl.u32 v3, $0x3  }
0x47: {  	v4 =	vmul.u32 $0x30, v58  }
0x48: {  	v3 =	vand.u32 $0x7, v3  }
0x49: {  	v3 =	vor.u32 v3, v4  }
0x4a: {  	v4 =	vperm.xlane v3, v0;
	_ =	sdelay $0x1  }
0x4b: {  	v4 =	vadd.s32 v1, v4;
	_ =	sdelay $0x3  }
0x4c: {  	v3 =	vperm.xlane v3, v2  }
0x4d: {  	[tilespmem:s19], [sflag:$0x1] =	stream.indirect_vreg.gather [hbm4b:s1+s3], $0x80, v4, vm0, $0xb8;
	[tilespmem:$0x15680] =	vst v63  }
0x4e: {  	v3 =	vadd.s32 v1, v3  }
0x4f: {  	[tilespmem:s20], [sflag:$0x1] =	stream.indirect_vreg.gather [hbm4b:s5+s3], $0x80, v4, vm0, $0xb8;
	[tilespmem:$0x15680] =	vst v63  }
0x50: {  	_ = 	snop  }
0x51: {  	[tilespmem:s21], [sflag:$0x1] =	stream.indirect_vreg.gather [hbm4b:s6+s3], $0x80, v4, vm0, $0xb8;
	[tilespmem:$0x15680] =	vst v63  }
0x52: {  	_ = 	snop  }
0x53: {  	[tilespmem:s22], [sflag:$0x1] =	stream.indirect_vreg.gather [hbm4b:s1+s3], $0x80, v3, vm0, $0xb8;
	[tilespmem:$0x15680] =	vst v63  }
0x54: {  	_ = 	snop  }
0x55: {  	[tilespmem:s23], [sflag:$0x1] =	stream.indirect_vreg.gather [hbm4b:s5+s3], $0x80, v3, vm0, $0xb8;
	[tilespmem:$0x15680] =	vst v63  }
0x56: {  	_ = 	snop  }
0x57: {  	[tilespmem:s24], [sflag:$0x1] =	stream.indirect_vreg.gather [hbm4b:s6+s3], $0x80, v3, vm0, $0xb8;
	[tilespmem:$0x15680] =	vst v63  }
0x58: {  	v3 =	vld.msk [tilespmem:$0x30], $0xff;
	_ =	sdelay $0x4  }
0x59: {  	v59 =	vshrl.u32 v3, $0x3  }
0x5a: {  	v4 =	vmul.u32 $0x30, v59  }
0x5b: {  	v3 =	vand.u32 $0x7, v3  }
0x5c: {  	v3 =	vor.u32 v3, v4  }
0x5d: {  	v3 =	vperm.xlane v3, v0;
	_ =	sdelay $0x1  }
0x5e: {  	v3 =	vadd.s32 v1, v3;
	_ =	sdelay $0x4  }
0x5f: {  	[tilespmem:s25], [sflag:$0x1] =	stream.indirect_vreg.gather [hbm4b:s1+s3], $0x80, v3, vm0, $0xb8;
	[tilespmem:$0x15680] =	vst v63  }
0x60: {  	_ = 	snop  }
0x61: {  	[tilespmem:s26], [sflag:$0x1] =	stream.indirect_vreg.gather [hbm4b:s5+s3], $0x80, v3, vm0, $0xb8;
	[tilespmem:$0x15680] =	vst v63  }
0x62: {  	_ = 	snop  }
0x63: {  	[tilespmem:s11], [sflag:$0x1] =	stream.indirect_vreg.gather [hbm4b:s6+s3], $0x80, v3, vm0, $0xb8;
	[tilespmem:$0x15680] =	vst v63  }
0x64: {  	v3 =	vld [tilespmem:$0x38];
	_ =	sdelay $0x4  }
0x65: {  	v60 =	vshrl.u32 v3, $0x3  }
0x66: {  	v4 =	vmul.u32 $0x30, v60  }
0x67: {  	v3 =	vand.u32 $0x7, v3  }
0x68: {  	v3 =	vor.u32 v3, v4  }
0x69: {  	v4 =	vperm.xlane v3, v0;
	_ =	sdelay $0x1  }
0x6a: {  	v4 =	vadd.s32 v1, v4;
	_ =	sdelay $0x3  }
0x6b: {  	v3 =	vperm.xlane v3, v2  }
0x6c: {  	[tilespmem:s4], [sflag:$0x2] =	stream.indirect_vreg.gather [hbm4b:s1+s3], $0x80, v4, vm0, $0xb8;
	[tilespmem:$0x15680] =	vst v63  }
0x6d: {  	v3 =	vadd.s32 v1, v3  }
0x6e: {  	[tilespmem:s31], [sflag:$0x2] =	stream.indirect_vreg.gather [hbm4b:s5+s3], $0x80, v4, vm0, $0xb8;
	[tilespmem:$0x15680] =	vst v63  }
0x6f: {  	s11 =	simm.s32 $0xBE80  }
0x70: {  	[tilespmem:s11], [sflag:$0x2] =	stream.indirect_vreg.gather [hbm4b:s6+s3], $0x80, v4, vm0, $0xb8;
	[tilespmem:$0x15680] =	vst v63  }
0x71: {  	s12 =	simm.s32 $0xC680  }
0x72: {  	[tilespmem:s12], [sflag:$0x2] =	stream.indirect_vreg.gather [hbm4b:s1+s3], $0x80, v3, vm0, $0xb8;
	[tilespmem:$0x15680] =	vst v63  }
0x73: {  	s13 =	simm.s32 $0xCE80  }
0x74: {  	[tilespmem:s13], [sflag:$0x2] =	stream.indirect_vreg.gather [hbm4b:s5+s3], $0x80, v3, vm0, $0xb8;
	[tilespmem:$0x15680] =	vst v63  }
0x75: {  	s14 =	simm.s32 $0xD680  }
0x76: {  	[tilespmem:s14], [sflag:$0x2] =	stream.indirect_vreg.gather [hbm4b:s6+s3], $0x80, v3, vm0, $0xb8;
	[tilespmem:$0x15680] =	vst v63  }
0x77: {  	v3 =	vld [tilespmem:$0x48];
	_ =	sdelay $0x4  }
0x78: {  	v61 =	vshrl.u32 v3, $0x3  }
0x79: {  	v4 =	vmul.u32 $0x30, v61  }
0x7a: {  	v3 =	vand.u32 $0x7, v3  }
0x7b: {  	v3 =	vor.u32 v3, v4  }
0x7c: {  	v4 =	vperm.xlane v3, v0;
	_ =	sdelay $0x1  }
0x7d: {  	v4 =	vadd.s32 v1, v4;
	_ =	sdelay $0x3  }
0x7e: {  	s15 =	simm.s32 $0xDE80;
	v3 =	vperm.xlane v3, v2  }
0x7f: {  	[tilespmem:s15], [sflag:$0x2] =	stream.indirect_vreg.gather [hbm4b:s1+s3], $0x80, v4, vm0, $0xb8;
	[tilespmem:$0x15680] =	vst v63  }
0x80: {  	s16 =	simm.s32 $0xE680;
	v3 =	vadd.s32 v1, v3  }
0x81: {  	[tilespmem:s16], [sflag:$0x2] =	stream.indirect_vreg.gather [hbm4b:s5+s3], $0x80, v4, vm0, $0xb8;
	[tilespmem:$0x15680] =	vst v63  }
0x82: {  	s17 =	simm.s32 $0xEE80  }
0x83: {  	[tilespmem:s17], [sflag:$0x2] =	stream.indirect_vreg.gather [hbm4b:s6+s3], $0x80, v4, vm0, $0xb8;
	[tilespmem:$0x15680] =	vst v63  }
0x84: {  	s18 =	simm.s32 $0xF680  }
0x85: {  	[tilespmem:s18], [sflag:$0x2] =	stream.indirect_vreg.gather [hbm4b:s1+s3], $0x80, v3, vm0, $0xb8;
	[tilespmem:$0x15680] =	vst v63  }
0x86: {  	s19 =	simm.s32 $0xFE80  }
0x87: {  	[tilespmem:s19], [sflag:$0x2] =	stream.indirect_vreg.gather [hbm4b:s5+s3], $0x80, v3, vm0, $0xb8;
	[tilespmem:$0x15680] =	vst v63  }
0x88: {  	s20 =	simm.s32 $0x10680  }
0x89: {  	[tilespmem:s20], [sflag:$0x2] =	stream.indirect_vreg.gather [hbm4b:s6+s3], $0x80, v3, vm0, $0xb8;
	[tilespmem:$0x15680] =	vst v63  }
0x8a: {  	v3 =	vld [tilespmem:$0x58];
	_ =	sdelay $0x4  }
0x8b: {  	v62 =	vshrl.u32 v3, $0x3  }
0x8c: {  	v4 =	vmul.u32 $0x30, v62  }
0x8d: {  	v3 =	vand.u32 $0x7, v3  }
0x8e: {  	v3 =	vor.u32 v3, v4  }
0x8f: {  	v4 =	vperm.xlane v3, v0;
	_ =	sdelay $0x1  }
0x90: {  	v4 =	vadd.s32 v1, v4;
	_ =	sdelay $0x3  }
0x91: {  	s21 =	simm.s32 $0x10E80;
	v3 =	vperm.xlane v3, v2  }
0x92: {  	[tilespmem:s21], [sflag:$0x2] =	stream.indirect_vreg.gather [hbm4b:s1+s3], $0x80, v4, vm0, $0xb8;
	[tilespmem:$0x15680] =	vst v63  }
0x93: {  	s22 =	simm.s32 $0x11680;
	v3 =	vadd.s32 v1, v3  }
0x94: {  	[tilespmem:s22], [sflag:$0x2] =	stream.indirect_vreg.gather [hbm4b:s5+s3], $0x80, v4, vm0, $0xb8;
	[tilespmem:$0x15680] =	vst v63  }
0x95: {  	s23 =	simm.s32 $0x11E80  }
0x96: {  	[tilespmem:s23], [sflag:$0x2] =	stream.indirect_vreg.gather [hbm4b:s6+s3], $0x80, v4, vm0, $0xb8;
	[tilespmem:$0x15680] =	vst v63  }
0x97: {  	s24 =	simm.s32 $0x12680  }
0x98: {  	[tilespmem:s24], [sflag:$0x2] =	stream.indirect_vreg.gather [hbm4b:s1+s3], $0x80, v3, vm0, $0xb8;
	[tilespmem:$0x15680] =	vst v63  }
0x99: {  	s25 =	simm.s32 $0x12E80  }
0x9a: {  	[tilespmem:s25], [sflag:$0x2] =	stream.indirect_vreg.gather [hbm4b:s5+s3], $0x80, v3, vm0, $0xb8;
	[tilespmem:$0x15680] =	vst v63  }
0x9b: {  	s26 =	simm.s32 $0x13680  }
0x9c: {  	[tilespmem:s26], [sflag:$0x2] =	stream.indirect_vreg.gather [hbm4b:s6+s3], $0x80, v3, vm0, $0xb8;
	[tilespmem:$0x15680] =	vst v63  }
0x9d: {  	v3 =	vld.msk [tilespmem:$0x68], $0xff;
	_ =	sdelay $0x4  }
0x9e: {  	v63 =	vshrl.u32 v3, $0x3  }
0x9f: {  	v4 =	vmul.u32 $0x30, v63  }
0xa0: {  	v3 =	vand.u32 $0x7, v3  }
0xa1: {  	v3 =	vor.u32 v3, v4  }
0xa2: {  	v3 =	vperm.xlane v3, v0;
	_ =	sdelay $0x1  }
0xa3: {  	s2 =	simm.s32 $0x0;
	s28 =	simm.s32 $0x9E80;
	s7 =	simm.s32 $0xE80;
	v3 =	vadd.s32 v1, v3  }
0xa4: {  	s9 =	simm.s32 $0x1E80;
	s31 =	simm.s32 $0xD8;
	s11 =	simm.s32 $0x13E80  }
0xa5: {  	s12 =	simm.s32 $0x14680;
	s13 =	simm.s32 $0x2E80;
	s14 =	simm.s32 $0x14E80  }
0xa6: {  	s15 =	simm.s32 $0x3E80;
	s16 =	simm.s32 $0x4680;
	s17 =	simm.s32 $0x4E80  }
0xa7: {  	s18 =	simm.s32 $0x5680;
	s19 =	simm.s32 $0x5E80;
	s20 =	simm.s32 $0x6680  }
0xa8: {  	[tilespmem:s11], [sflag:$0x2] =	stream.indirect_vreg.gather [hbm4b:s1+s3], $0x80, v3, vm0, $0xb8;
	[tilespmem:$0x15680] =	vst v63  }
0xa9: {  	s21 =	simm.s32 $0x6E80;
	s22 =	simm.s32 $0x7680;
	s23 =	simm.s32 $0x7E80  }
0xaa: {  	[tilespmem:s12], [sflag:$0x2] =	stream.indirect_vreg.gather [hbm4b:s5+s3], $0x80, v3, vm0, $0xb8;
	[tilespmem:$0x15680] =	vst v63  }
0xab: {  	s24 =	simm.s32 $0x8680;
	s25 =	simm.s32 $0x8E80;
	s26 =	simm.s32 $0x9680  }
0xac: {  	[tilespmem:s14], [sflag:$0x2] =	stream.indirect_vreg.gather [hbm4b:s6+s3], $0x80, v3, vm0, $0xb8;
	[tilespmem:$0x15680] =	vst v63  }
.LBB2_2:
0xad: {  	_ =	swait.ge [sflag:s29], $0xA800  }
0xae: {  	s4 =	rddreg [dreg:$0x4];
	[sflag:s29] =	ssyncset.done $0x0  }
0xaf: {  	s8 =	simm.s32 $0x680;
	[sflag:s29] =	ssyncadd.s32 $0xFFFF5800;
	s4 =	sadd.s32 s2, s4  }
0xb0: {  	[hbm4b:s4+s3] =	stream.linear.scatter [tilespmem:s8], [sflag:$0x3], $0xA800, $0x38;
	[tilespmem:$0x15680] =	vst v63  }
0xb1: {  	_ =	swait.ge [sflag:s10], $0xA800  }
0xb2: {  	[sflag:s10] =	ssyncset.done $0x0  }
0xb3: {  	[sflag:s10] =	ssyncadd.s32 $0xFFFF5800  }
0xb4: {  	v3 =	vld [tilespmem:s31+$0xFFFFFF98];
	_ =	sdelay $0x4  }
0xb5: {  	v4 =	vshrl.u32 v3, $0x3  }
0xb6: {  	v4 =	vmul.u32 $0x30, v4  }
0xb7: {  	v3 =	vand.u32 $0x7, v3  }
0xb8: {  	v3 =	vor.u32 v3, v4  }
0xb9: {  	v4 =	vperm.xlane v3, v0;
	_ =	sdelay $0x1  }
0xba: {  	v4 =	vadd.s32 v1, v4;
	_ =	sdelay $0x3  }
0xbb: {  	v3 =	vperm.xlane v3, v2  }
0xbc: {  	[tilespmem:s8], [sflag:$0x1] =	stream.indirect_vreg.gather [hbm4b:s1+s3], $0x80, v4, vm0, $0xb8;
	[tilespmem:$0x15680] =	vst v63  }
0xbd: {  	v3 =	vadd.s32 v1, v3  }
0xbe: {  	[tilespmem:s7], [sflag:$0x1] =	stream.indirect_vreg.gather [hbm4b:s5+s3], $0x80, v4, vm0, $0xb8;
	[tilespmem:$0x15680] =	vst v63  }
0xbf: {  	s8 =	simm.s32 $0x1680  }
0xc0: {  	[tilespmem:s8], [sflag:$0x1] =	stream.indirect_vreg.gather [hbm4b:s6+s3], $0x80, v4, vm0, $0xb8;
	[tilespmem:$0x15680] =	vst v63  }
0xc1: {  	_ = 	snop  }
0xc2: {  	[tilespmem:s9], [sflag:$0x1] =	stream.indirect_vreg.gather [hbm4b:s1+s3], $0x80, v3, vm0, $0xb8;
	[tilespmem:$0x15680] =	vst v63  }
0xc3: {  	s8 =	simm.s32 $0x2680  }
0xc4: {  	[tilespmem:s8], [sflag:$0x1] =	stream.indirect_vreg.gather [hbm4b:s5+s3], $0x80, v3, vm0, $0xb8;
	[tilespmem:$0x15680] =	vst v63  }
0xc5: {  	_ = 	snop  }
0xc6: {  	[tilespmem:s13], [sflag:$0x1] =	stream.indirect_vreg.gather [hbm4b:s6+s3], $0x80, v3, vm0, $0xb8;
	[tilespmem:$0x15680] =	vst v63  }
0xc7: {  	v3 =	vld [tilespmem:s31+$0xFFFFFFA8];
	_ =	sdelay $0x4  }
0xc8: {  	v57 =	vshrl.u32 v3, $0x3  }
0xc9: {  	v4 =	vmul.u32 $0x30, v57  }
0xca: {  	v3 =	vand.u32 $0x7, v3  }
0xcb: {  	v3 =	vor.u32 v3, v4  }
0xcc: {  	v4 =	vperm.xlane v3, v0;
	_ =	sdelay $0x1  }
0xcd: {  	v4 =	vadd.s32 v1, v4;
	_ =	sdelay $0x3  }
0xce: {  	s8 =	simm.s32 $0x3680;
	v3 =	vperm.xlane v3, v2  }
0xcf: {  	[tilespmem:s8], [sflag:$0x1] =	stream.indirect_vreg.gather [hbm4b:s1+s3], $0x80, v4, vm0, $0xb8;
	[tilespmem:$0x15680] =	vst v63  }
0xd0: {  	v3 =	vadd.s32 v1, v3  }
0xd1: {  	[tilespmem:s15], [sflag:$0x1] =	stream.indirect_vreg.gather [hbm4b:s5+s3], $0x80, v4, vm0, $0xb8;
	[tilespmem:$0x15680] =	vst v63  }
0xd2: {  	_ = 	snop  }
0xd3: {  	[tilespmem:s16], [sflag:$0x1] =	stream.indirect_vreg.gather [hbm4b:s6+s3], $0x80, v4, vm0, $0xb8;
	[tilespmem:$0x15680] =	vst v63  }
0xd4: {  	_ = 	snop  }
0xd5: {  	[tilespmem:s17], [sflag:$0x1] =	stream.indirect_vreg.gather [hbm4b:s1+s3], $0x80, v3, vm0, $0xb8;
	[tilespmem:$0x15680] =	vst v63  }
0xd6: {  	_ = 	snop  }
0xd7: {  	[tilespmem:s18], [sflag:$0x1] =	stream.indirect_vreg.gather [hbm4b:s5+s3], $0x80, v3, vm0, $0xb8;
	[tilespmem:$0x15680] =	vst v63  }
0xd8: {  	_ = 	snop  }
0xd9: {  	[tilespmem:s19], [sflag:$0x1] =	stream.indirect_vreg.gather [hbm4b:s6+s3], $0x80, v3, vm0, $0xb8;
	[tilespmem:$0x15680] =	vst v63  }
0xda: {  	v3 =	vld [tilespmem:s31+$0xFFFFFFB8];
	_ =	sdelay $0x4  }
0xdb: {  	v58 =	vshrl.u32 v3, $0x3  }
0xdc: {  	v4 =	vmul.u32 $0x30, v58  }
0xdd: {  	v3 =	vand.u32 $0x7, v3  }
0xde: {  	v3 =	vor.u32 v3, v4  }
0xdf: {  	v4 =	vperm.xlane v3, v0;
	_ =	sdelay $0x1  }
0xe0: {  	v4 =	vadd.s32 v1, v4;
	_ =	sdelay $0x3  }
0xe1: {  	v3 =	vperm.xlane v3, v2  }
0xe2: {  	[tilespmem:s20], [sflag:$0x1] =	stream.indirect_vreg.gather [hbm4b:s1+s3], $0x80, v4, vm0, $0xb8;
	[tilespmem:$0x15680] =	vst v63  }
0xe3: {  	v3 =	vadd.s32 v1, v3  }
0xe4: {  	[tilespmem:s21], [sflag:$0x1] =	stream.indirect_vreg.gather [hbm4b:s5+s3], $0x80, v4, vm0, $0xb8;
	[tilespmem:$0x15680] =	vst v63  }
0xe5: {  	_ = 	snop  }
0xe6: {  	[tilespmem:s22], [sflag:$0x1] =	stream.indirect_vreg.gather [hbm4b:s6+s3], $0x80, v4, vm0, $0xb8;
	[tilespmem:$0x15680] =	vst v63  }
0xe7: {  	_ = 	snop  }
0xe8: {  	[tilespmem:s23], [sflag:$0x1] =	stream.indirect_vreg.gather [hbm4b:s1+s3], $0x80, v3, vm0, $0xb8;
	[tilespmem:$0x15680] =	vst v63  }
0xe9: {  	_ = 	snop  }
0xea: {  	[tilespmem:s24], [sflag:$0x1] =	stream.indirect_vreg.gather [hbm4b:s5+s3], $0x80, v3, vm0, $0xb8;
	[tilespmem:$0x15680] =	vst v63  }
0xeb: {  	_ = 	snop  }
0xec: {  	[tilespmem:s25], [sflag:$0x1] =	stream.indirect_vreg.gather [hbm4b:s6+s3], $0x80, v3, vm0, $0xb8;
	[tilespmem:$0x15680] =	vst v63  }
0xed: {  	v3 =	vld.msk [tilespmem:s31+$0xFFFFFFC8], $0xff;
	_ =	sdelay $0x4  }
0xee: {  	v59 =	vshrl.u32 v3, $0x3  }
0xef: {  	v4 =	vmul.u32 $0x30, v59  }
0xf0: {  	v3 =	vand.u32 $0x7, v3  }
0xf1: {  	v3 =	vor.u32 v3, v4  }
0xf2: {  	v3 =	vperm.xlane v3, v0;
	_ =	sdelay $0x1  }
0xf3: {  	v3 =	vadd.s32 v1, v3;
	_ =	sdelay $0x4  }
0xf4: {  	[tilespmem:s26], [sflag:$0x1] =	stream.indirect_vreg.gather [hbm4b:s1+s3], $0x80, v3, vm0, $0xb8;
	[tilespmem:$0x15680] =	vst v63  }
0xf5: {  	_ = 	snop  }
0xf6: {  	[tilespmem:s28], [sflag:$0x1] =	stream.indirect_vreg.gather [hbm4b:s5+s3], $0x80, v3, vm0, $0xb8;
	[tilespmem:$0x15680] =	vst v63  }
0xf7: {  	s8 =	simm.s32 $0xA680  }
0xf8: {  	[tilespmem:s8], [sflag:$0x1] =	stream.indirect_vreg.gather [hbm4b:s6+s3], $0x80, v3, vm0, $0xb8;
	[tilespmem:$0x15680] =	vst v63  }
0xf9: {  	_ =	swait.ge [sflag:s30], $0xA800  }
0xfa: {  	s8 =	rddreg [dreg:$0x5];
	[sflag:s30] =	ssyncset.done $0x0  }
0xfb: {  	[sflag:s30] =	ssyncadd.s32 $0xFFFF5800;
	s4 =	sadd.s32 s2, s8;
	s8 =	simm.s32 $0xAE80  }
0xfc: {  	[hbm4b:s4+s3] =	stream.linear.scatter [tilespmem:s8], [sflag:$0x3], $0xA800, $0x38;
	[tilespmem:$0x15680] =	vst v63  }
0xfd: {  	_ =	swait.ge [sflag:s10], $0xA800  }
0xfe: {  	[sflag:s10] =	ssyncset.done $0x0  }
0xff: {  	[sflag:s10] =	ssyncadd.s32 $0xFFFF5800  }
0x100: {  	v3 =	vld [tilespmem:s31+$0xFFFFFFD0];
	_ =	sdelay $0x4  }
0x101: {  	v60 =	vshrl.u32 v3, $0x3  }
0x102: {  	v4 =	vmul.u32 $0x30, v60  }
0x103: {  	v3 =	vand.u32 $0x7, v3  }
0x104: {  	v3 =	vor.u32 v3, v4  }
0x105: {  	v4 =	vperm.xlane v3, v0;
	_ =	sdelay $0x1  }
0x106: {  	v4 =	vadd.s32 v1, v4;
	_ =	sdelay $0x3  }
0x107: {  	v3 =	vperm.xlane v3, v2  }
0x108: {  	[tilespmem:s8], [sflag:$0x2] =	stream.indirect_vreg.gather [hbm4b:s1+s3], $0x80, v4, vm0, $0xb8;
	[tilespmem:$0x15680] =	vst v63  }
0x109: {  	v3 =	vadd.s32 v1, v3;
	s8 =	simm.s32 $0xB680  }
0x10a: {  	[tilespmem:s8], [sflag:$0x2] =	stream.indirect_vreg.gather [hbm4b:s5+s3], $0x80, v4, vm0, $0xb8;
	[tilespmem:$0x15680] =	vst v63  }
0x10b: {  	s8 =	simm.s32 $0xBE80  }
0x10c: {  	[tilespmem:s8], [sflag:$0x2] =	stream.indirect_vreg.gather [hbm4b:s6+s3], $0x80, v4, vm0, $0xb8;
	[tilespmem:$0x15680] =	vst v63  }
0x10d: {  	s8 =	simm.s32 $0xC680  }
0x10e: {  	[tilespmem:s8], [sflag:$0x2] =	stream.indirect_vreg.gather [hbm4b:s1+s3], $0x80, v3, vm0, $0xb8;
	[tilespmem:$0x15680] =	vst v63  }
0x10f: {  	s8 =	simm.s32 $0xCE80  }
0x110: {  	[tilespmem:s8], [sflag:$0x2] =	stream.indirect_vreg.gather [hbm4b:s5+s3], $0x80, v3, vm0, $0xb8;
	[tilespmem:$0x15680] =	vst v63  }
0x111: {  	s8 =	simm.s32 $0xD680  }
0x112: {  	[tilespmem:s8], [sflag:$0x2] =	stream.indirect_vreg.gather [hbm4b:s6+s3], $0x80, v3, vm0, $0xb8;
	[tilespmem:$0x15680] =	vst v63  }
0x113: {  	v3 =	vld [tilespmem:s31+$0xFFFFFFE0];
	_ =	sdelay $0x4  }
0x114: {  	v61 =	vshrl.u32 v3, $0x3  }
0x115: {  	v4 =	vmul.u32 $0x30, v61  }
0x116: {  	v3 =	vand.u32 $0x7, v3  }
0x117: {  	v3 =	vor.u32 v3, v4  }
0x118: {  	v4 =	vperm.xlane v3, v0;
	_ =	sdelay $0x1  }
0x119: {  	v4 =	vadd.s32 v1, v4;
	_ =	sdelay $0x3  }
0x11a: {  	s8 =	simm.s32 $0xDE80;
	v3 =	vperm.xlane v3, v2  }
0x11b: {  	[tilespmem:s8], [sflag:$0x2] =	stream.indirect_vreg.gather [hbm4b:s1+s3], $0x80, v4, vm0, $0xb8;
	[tilespmem:$0x15680] =	vst v63  }
0x11c: {  	v3 =	vadd.s32 v1, v3;
	s8 =	simm.s32 $0xE680  }
0x11d: {  	[tilespmem:s8], [sflag:$0x2] =	stream.indirect_vreg.gather [hbm4b:s5+s3], $0x80, v4, vm0, $0xb8;
	[tilespmem:$0x15680] =	vst v63  }
0x11e: {  	s8 =	simm.s32 $0xEE80  }
0x11f: {  	[tilespmem:s8], [sflag:$0x2] =	stream.indirect_vreg.gather [hbm4b:s6+s3], $0x80, v4, vm0, $0xb8;
	[tilespmem:$0x15680] =	vst v63  }
0x120: {  	s8 =	simm.s32 $0xF680  }
0x121: {  	[tilespmem:s8], [sflag:$0x2] =	stream.indirect_vreg.gather [hbm4b:s1+s3], $0x80, v3, vm0, $0xb8;
	[tilespmem:$0x15680] =	vst v63  }
0x122: {  	s8 =	simm.s32 $0xFE80  }
0x123: {  	[tilespmem:s8], [sflag:$0x2] =	stream.indirect_vreg.gather [hbm4b:s5+s3], $0x80, v3, vm0, $0xb8;
	[tilespmem:$0x15680] =	vst v63  }
0x124: {  	s8 =	simm.s32 $0x10680  }
0x125: {  	[tilespmem:s8], [sflag:$0x2] =	stream.indirect_vreg.gather [hbm4b:s6+s3], $0x80, v3, vm0, $0xb8;
	[tilespmem:$0x15680] =	vst v63  }
0x126: {  	v3 =	vld [tilespmem:s31+$0xFFFFFFF0];
	_ =	sdelay $0x4  }
0x127: {  	v62 =	vshrl.u32 v3, $0x3  }
0x128: {  	v4 =	vmul.u32 $0x30, v62  }
0x129: {  	v3 =	vand.u32 $0x7, v3  }
0x12a: {  	v3 =	vor.u32 v3, v4  }
0x12b: {  	v4 =	vperm.xlane v3, v0;
	_ =	sdelay $0x1  }
0x12c: {  	v4 =	vadd.s32 v1, v4;
	_ =	sdelay $0x3  }
0x12d: {  	s8 =	simm.s32 $0x10E80;
	v3 =	vperm.xlane v3, v2  }
0x12e: {  	[tilespmem:s8], [sflag:$0x2] =	stream.indirect_vreg.gather [hbm4b:s1+s3], $0x80, v4, vm0, $0xb8;
	[tilespmem:$0x15680] =	vst v63  }
0x12f: {  	v3 =	vadd.s32 v1, v3;
	s8 =	simm.s32 $0x11680  }
0x130: {  	[tilespmem:s8], [sflag:$0x2] =	stream.indirect_vreg.gather [hbm4b:s5+s3], $0x80, v4, vm0, $0xb8;
	[tilespmem:$0x15680] =	vst v63  }
0x131: {  	s8 =	simm.s32 $0x11E80  }
0x132: {  	[tilespmem:s8], [sflag:$0x2] =	stream.indirect_vreg.gather [hbm4b:s6+s3], $0x80, v4, vm0, $0xb8;
	[tilespmem:$0x15680] =	vst v63  }
0x133: {  	s8 =	simm.s32 $0x12680  }
0x134: {  	[tilespmem:s8], [sflag:$0x2] =	stream.indirect_vreg.gather [hbm4b:s1+s3], $0x80, v3, vm0, $0xb8;
	[tilespmem:$0x15680] =	vst v63  }
0x135: {  	s8 =	simm.s32 $0x12E80  }
0x136: {  	[tilespmem:s8], [sflag:$0x2] =	stream.indirect_vreg.gather [hbm4b:s5+s3], $0x80, v3, vm0, $0xb8;
	[tilespmem:$0x15680] =	vst v63  }
0x137: {  	s8 =	simm.s32 $0x13680  }
0x138: {  	[tilespmem:s8], [sflag:$0x2] =	stream.indirect_vreg.gather [hbm4b:s6+s3], $0x80, v3, vm0, $0xb8;
	[tilespmem:$0x15680] =	vst v63  }
0x139: {  	v3 =	vld.msk [tilespmem:s31+$0x0], $0xff;
	_ =	sdelay $0x4  }
0x13a: {  	v63 =	vshrl.u32 v3, $0x3  }
0x13b: {  	v4 =	vmul.u32 $0x30, v63  }
0x13c: {  	v3 =	vand.u32 $0x7, v3  }
0x13d: {  	v3 =	vor.u32 v3, v4  }
0x13e: {  	v3 =	vperm.xlane v3, v0;
	_ =	sdelay $0x1  }
0x13f: {  	v3 =	vadd.s32 v1, v3;
	_ =	sdelay $0x3  }
0x140: {  	p0 =	sne.s32 s2, $0x1F800  }
0x141: {  	[tilespmem:s11], [sflag:$0x2] =	stream.indirect_vreg.gather [hbm4b:s1+s3], $0x80, v3, vm0, $0xb8;
	[tilespmem:$0x15680] =	vst v63  }
.Ltmp0:
0x142: {  	_ = 	snop;
	(pc) =	sbr.rel @p0 .LBB2_2-.Ltmp0, $4  }
0x143: {  	s0 =	simm.s32 $0x680  }
0x144: {  	[tilespmem:s12], [sflag:$0x2] =	stream.indirect_vreg.gather [hbm4b:s5+s3], $0x80, v3, vm0, $0xb8;
	[tilespmem:$0x15680] =	vst v63  }
0x145: {  	s2 =	sadd.s32 $0x2A00, s2;
	s4 =	simm.s32 $0xAE80;
	s31 =	sadd.s32 $0x70, s31  }
0x146: {  	[tilespmem:s14], [sflag:$0x2] =	stream.indirect_vreg.gather [hbm4b:s6+s3], $0x80, v3, vm0, $0xb8;
	[tilespmem:$0x15680] =	vst v63  }
0x147: {  	_ =	swait.ge [sflag:s29], $0xA800  }
0x148: {  	[sflag:s29] =	ssyncset.done $0x0  }
0x149: {  	s2 =	rddreg [dreg:$0x7];
	[sflag:s29] =	ssyncadd.s32 $0xFFFF5800  }
0x14a: {  	[hbm4b:s2+s3] =	stream.linear.scatter [tilespmem:s0], [sflag:$0x3], $0xA800, $0x38;
	[tilespmem:$0x15680] =	vst v63  }
0x14b: {  	_ =	swait.ge [sflag:s10], $0xA800  }
0x14c: {  	[sflag:s10] =	ssyncset.done $0x0  }
0x14d: {  	[sflag:s10] =	ssyncadd.s32 $0xFFFF5800  }
0x14e: {  	_ =	swait.ge [sflag:s30], $0xA800  }
0x14f: {  	s28 =	simm.s32 $0xE80;
	s8 =	simm.s32 $0x1E80;
	[sflag:s30] =	ssyncset.done $0x0  }
0x150: {  	s9 =	simm.s32 $0x2680;
	s25 =	rddreg [dreg:$0x8];
	[sflag:s30] =	ssyncadd.s32 $0xFFFF5800  }
0x151: {  	[hbm4b:s25+s3] =	stream.linear.scatter [tilespmem:s4], [sflag:$0x3], $0xA800, $0x38;
	[tilespmem:$0x15680] =	vst v63  }
0x152: {  	s12 =	simm.s32 $0x2E80;
	s13 =	simm.s32 $0x3680;
	_ =	swait.ge [sflag:s10], $0xA800  }
0x153: {  	s14 =	simm.s32 $0x3E80;
	s15 =	simm.s32 $0x4680;
	s7 =	rddreg [dreg:$0xa]  }
0x154: {  	s16 =	simm.s32 $0x4E80;
	s26 =	rddreg [dreg:$0x9];
	s7 =	sadd.s32 $0x1, s7  }
0x155: {  	s17 =	simm.s32 $0x5680;
	s18 =	simm.s32 $0x5E80;
	p0 =	sne.s32 s7, s26  }
.Ltmp1:
0x156: {  	s19 =	simm.s32 $0x6680;
	s20 =	simm.s32 $0x6E80;
	(pc) =	sbr.rel @p0 .LBB2_1-.Ltmp1, $4  }
0x157: {  	s21 =	simm.s32 $0x7680;
	s22 =	simm.s32 $0x7E80;
	s23 =	simm.s32 $0x8680  }
0x158: {  	s24 =	simm.s32 $0x8E80;
	s11 =	simm.s32 $0xA680;
	[sflag:s10] =	ssyncset.done $0x0  }
0x159: {  	s31 =	simm.s32 $0xB680;
	s25 =	simm.s32 $0x9680;
	[sflag:s10] =	ssyncadd.s32 $0xFFFF5800  }
0x15a: {  	[dreg:$0xa] =	wrdreg s7;
	s7 =	simm.s32 $0x1680;
	s26 =	simm.s32 $0x9E80  }
0x15b: {  	_ =	sfence.sel $0x180000  }
0x15c: {  	[bflag:$0x0] =	sbarrier.arrive $0xFFFF  }
0x15d: {  	_ =	strace $0x90000047  }
0x15e: {  	s0 =	stileid.u32;
	[bflag:$0x2] =	sbarrier.arrive $0xFFFF  }
0x15f: {  	p0 =	sne.s32 s0, $0x0;
	s0 =	rddreg [dreg:$0x3]  }
0x160: {  	s0 =	sadd.s32 @!p0 $0x100000, s0  }
0x161: {  	[sflag:s0] =	ssyncadd.tile.s32 @!p0 $0x1;
	_ =	shalt  }
.Lfunc_end2:
_tile_overlayer_lowered:
.L_overlay_start_2:
0x162: {  	(tag) =	ssettag $0x2  }
0x163: {  	s0 =	rddreg [dreg:$0x0];
	s2 =	stileid.u32  }
0x164: {  	s1 =	rddreg [dreg:$0x1];
	p0 =	sne.s32 s2, $0x0  }
0x165: {  	s3 =	rddreg [dreg:$0x2];
	[bflag:$0x3] =	sbarrier.arrive $0xFFFF;
	s2 =	simm.s32 @!p0 $0x1C03  }
0x166: {  	[timem:s3], [sflag:s2] =	dma.local @!p0 [hbm:s0], s1  }
0x167: {  	s0 =	simm.s32 @!p0 $0x3  }
0x168: {  	_ =	swait.ge @!p0 [sflag:s0], s1  }
0x169: {  	s1 =	ssub.s32 @!p0 $0x0, s1;
	[sflag:s0] =	ssyncset.done @!p0 $0x0  }
0x16a: {  	[sflag:s0] =	ssyncadd.s32 @!p0 s1  }
0x16b: {  	[bflag:$0x3] =	sbarrier.arrive $0xFFFF  }
0x16c: {  	_ =	shalt  }

</sc_bundles>
